<compile_context>
chip_gen: v7x
topology: tpu7x:2x2x1
jax: 0.10.2.dev20260603
libtpu: 0.0.44.dev20260713+nightly
codegen_flags: <defaults>
</compile_context>

<pallas_src>
import functools

import jax
import jax.numpy as jnp
from jax import lax
from jax.experimental import pallas as pl
from jax.experimental.pallas import tpu as pltpu
from jax.experimental.pallas import tpu_sc as plsc

NC = 2
NS = 16
L = 16
NW = NC * NS
N = 1024 * 128
CH = N // NW
H = CH // 2

_C = 2.0 / 3.0

_mesh = plsc.VectorSubcoreMesh(core_axis_name="c", subcore_axis_name="s")


def _process(buf):

    def body(i, carry):
        v = buf[pl.ds(i * L, L)]
        y = v * _C + _C
        y = jnp.where(y > 0.0, y - 5.0, y)
        buf[pl.ds(i * L, L)] = y
        return carry

    lax.fori_loop(0, H // L, body, 0, unroll=8)


@functools.partial(
    pl.kernel,
    mesh=_mesh,
    out_type=jax.ShapeDtypeStruct((N,), jnp.float32),
    scratch_types=[
        pltpu.VMEM((H,), jnp.float32),
        pltpu.VMEM((H,), jnp.float32),
        pltpu.SemaphoreType.DMA,
        pltpu.SemaphoreType.DMA,
        pltpu.SemaphoreType.DMA,
    ],
)
def _pt_elementwise(x_hbm, out_hbm, b0, b1, s0, s1, s2):
    wid = lax.axis_index("s") * NC + lax.axis_index("c")
    base = wid * CH
    in0 = pltpu.async_copy(x_hbm.at[pl.ds(base, H)], b0, s0)
    in1 = pltpu.async_copy(x_hbm.at[pl.ds(base + H, H)], b1, s1)
    in0.wait()
    _process(b0)
    out0 = pltpu.async_copy(b0, out_hbm.at[pl.ds(base, H)], s2)
    in1.wait()
    _process(b1)
    out1 = pltpu.async_copy(b1, out_hbm.at[pl.ds(base + H, H)], s1)
    out0.wait()
    out1.wait()


def kernel(x):
    return _pt_elementwise(x.reshape(N)).reshape(x.shape)

# --- scband reference (transcript-rebuilt; emitter-appended) ---
"""Pipeline reference for scband-pt-module-73667279061069 (READ-ONLY COPY).

The authoritative reference and input builder live on the scoring server;
editing this copy changes nothing except your own understanding.
"""

import jax, jax.numpy as jnp
import numpy as np


def setup_inputs(seed: int = 0) -> dict:
    key = jax.random.key(seed)
    x = jax.random.normal(key, (1024, 128), dtype=jnp.float32)
    return {"x": x}


def reference(x) -> jnp.ndarray:
    # x = x + 1; x = x * 2; x = x / 3
    y = (x + 1.0) * 2.0 / 3.0
    # elementwise conditional update: if y[i,j] > 0: y[i,j] = y[i,j] - 5
    y = jnp.where(y > 0, y - 5.0, y)
    return y

if __name__ == "__main__":
    import jax
    _d = setup_inputs()
    print(jax.jit(kernel)(*tuple(_d.values())))

</pallas_src>

<mosaic_0001>
#map = affine_map<(d0, d1) -> (0)>
module attributes {stable_mosaic.version = 14 : i64} {
  func.func @_pt_elementwise(%arg0: i32, %arg1: i32, %arg2: memref<131072xf32, #tpu.memory_space<hbm>>, %arg3: memref<131072xf32, #tpu.memory_space<hbm>>, %arg4: memref<2048xf32, #tpu.memory_space<vmem>>, %arg5: memref<2048xf32, #tpu.memory_space<vmem>>, %arg6: memref<!tpu.dma_semaphore, #tpu.memory_space<semaphore_mem>>, %arg7: memref<!tpu.dma_semaphore, #tpu.memory_space<semaphore_mem>>, %arg8: memref<!tpu.dma_semaphore, #tpu.memory_space<semaphore_mem>>) attributes {dimension_semantics = [#tpu.dimension_semantics<core_parallel>, #tpu.dimension_semantics<subcore_parallel>], iteration_bounds = array<i64: 2, 16>, scalar_prefetch = 0 : i64, scratch_operands = 5 : i64, tpu.core_type = #tpu.core_type<sc_vector_subcore>, window_params = [{transform_indices = #map}, {transform_indices = #map}]} {
    %mul3A = arith.constant 2 : i32
    %mul3A_0 = arith.muli %arg1, %mul3A : i32
    %add3A = arith.addi %mul3A_0, %arg0 : i32
    %mul3A_1 = arith.constant 4096 : i32
    %mul3A_2 = arith.muli %add3A, %mul3A_1 : i32
    %dma_start3A = tpu.memref_slice %arg2[%mul3A_2] : memref<131072xf32, #tpu.memory_space<hbm>> -> memref<2048xf32, #tpu.memory_space<hbm>>
    %dma_start3A_3 = tpu.memref_slice %arg2[%mul3A_2] : memref<131072xf32, #tpu.memory_space<hbm>> -> memref<2048xf32, #tpu.memory_space<hbm>>
    tpu.enqueue_dma source(%dma_start3A_3 : memref<2048xf32, #tpu.memory_space<hbm>>) target(%arg4 : memref<2048xf32, #tpu.memory_space<vmem>>) target_semaphore(%arg6 : memref<!tpu.dma_semaphore, #tpu.memory_space<semaphore_mem>>)
    %add3A_4 = arith.constant 2048 : i32
    %add3A_5 = arith.addi %mul3A_2, %add3A_4 : i32
    %dma_start3A_6 = tpu.memref_slice %arg2[%add3A_5] : memref<131072xf32, #tpu.memory_space<hbm>> -> memref<2048xf32, #tpu.memory_space<hbm>>
    %dma_start3A_7 = tpu.memref_slice %arg2[%add3A_5] : memref<131072xf32, #tpu.memory_space<hbm>> -> memref<2048xf32, #tpu.memory_space<hbm>>
    tpu.enqueue_dma source(%dma_start3A_7 : memref<2048xf32, #tpu.memory_space<hbm>>) target(%arg5 : memref<2048xf32, #tpu.memory_space<vmem>>) target_semaphore(%arg7 : memref<!tpu.dma_semaphore, #tpu.memory_space<semaphore_mem>>)
    %dma_wait3A = tpu.memref_slice %arg2[%mul3A_2] : memref<131072xf32, #tpu.memory_space<hbm>> -> memref<2048xf32, #tpu.memory_space<hbm>>
    %dma_wait3A_8 = tpu.memref_slice %arg2[%mul3A_2] : memref<131072xf32, #tpu.memory_space<hbm>> -> memref<2048xf32, #tpu.memory_space<hbm>>
    tpu.wait_dma2 semaphore(%arg6 : memref<!tpu.dma_semaphore, #tpu.memory_space<semaphore_mem>>) src(%dma_wait3A_8 : memref<2048xf32, #tpu.memory_space<hbm>>) dst(%arg4 : memref<2048xf32, #tpu.memory_space<vmem>>)
    %scan3A = arith.constant 0 : i32
    %scan3A_9 = arith.constant 0 : i32
    %scan3A_10 = arith.constant 128 : i32
    %scan3A_11 = arith.addi %scan3A_9, %scan3A_10 : i32
    %scan3A_12 = arith.constant 8 : i32
    scf.for %scan3A_32 = %scan3A_9 to %scan3A_11 step %scan3A_12  : i32 {
      %mul3A_33 = arith.constant 16 : i32
      %mul3A_34 = arith.muli %scan3A_32, %mul3A_33 : i32
      %get3A = arith.index_cast %mul3A_34 : i32 to index
      %get3A_35 = tpu.vector_load %arg4[%get3A] {strides = array<i32>} : memref<2048xf32, #tpu.memory_space<vmem>>, vector<16xf32>,
      %get3A_36 = vector.shape_cast %get3A_35 : vector<16xf32> to vector<16xf32>
      %mul3A_37 = arith.constant 0.666666686 : f32
      %mul3A_38 = vector.broadcast %mul3A_37 : f32 to vector<16xf32>
      %mul3A_39 = arith.mulf %get3A_36, %mul3A_38 : vector<16xf32>
      %add3A_40 = arith.constant 0.666666686 : f32
      %add3A_41 = vector.broadcast %add3A_40 : f32 to vector<16xf32>
      %add3A_42 = arith.addf %mul3A_39, %add3A_41 : vector<16xf32>
      %gt3A = arith.constant 0.000000e+00 : f32
      %gt3A_43 = vector.broadcast %gt3A : f32 to vector<16xf32>
      %gt3A_44 = arith.cmpf ogt, %add3A_42, %gt3A_43 : vector<16xf32>
      %sub3A = arith.constant 5.000000e+00 : f32
      %sub3A_45 = vector.broadcast %sub3A : f32 to vector<16xf32>
      %sub3A_46 = arith.subf %add3A_42, %sub3A_45 : vector<16xf32>
      %select_n3A = arith.select %gt3A_44, %sub3A_46, %add3A_42 : vector<16xi1>, vector<16xf32>
      %mul3A_47 = arith.constant 16 : i32
      %mul3A_48 = arith.muli %scan3A_32, %mul3A_47 : i32
      %swap3A = arith.index_cast %mul3A_48 : i32 to index
      %swap3A_49 = tpu.vector_load %arg4[%swap3A] {strides = array<i32>} : memref<2048xf32, #tpu.memory_space<vmem>>, vector<16xf32>,
      %swap3A_50 = vector.shape_cast %swap3A_49 : vector<16xf32> to vector<16xf32>
      %swap3A_51 = vector.shape_cast %select_n3A : vector<16xf32> to vector<16xf32>
      tpu.vector_store %arg4[%swap3A], %swap3A_51 {strides = array<i32>} : memref<2048xf32, #tpu.memory_space<vmem>>, vector<16xf32>,
      %scan3A_52 = arith.constant 1 : i32
      %scan3A_53 = arith.addi %scan3A_32, %scan3A_52 : i32
      %mul3A_54 = arith.constant 16 : i32
      %mul3A_55 = arith.muli %scan3A_53, %mul3A_54 : i32
      %get3A_56 = arith.index_cast %mul3A_55 : i32 to index
      %get3A_57 = tpu.vector_load %arg4[%get3A_56] {strides = array<i32>} : memref<2048xf32, #tpu.memory_space<vmem>>, vector<16xf32>,
      %get3A_58 = vector.shape_cast %get3A_57 : vector<16xf32> to vector<16xf32>
      %mul3A_59 = arith.constant 0.666666686 : f32
      %mul3A_60 = vector.broadcast %mul3A_59 : f32 to vector<16xf32>
      %mul3A_61 = arith.mulf %get3A_58, %mul3A_60 : vector<16xf32>
      %add3A_62 = arith.constant 0.666666686 : f32
      %add3A_63 = vector.broadcast %add3A_62 : f32 to vector<16xf32>
      %add3A_64 = arith.addf %mul3A_61, %add3A_63 : vector<16xf32>
      %gt3A_65 = arith.constant 0.000000e+00 : f32
      %gt3A_66 = vector.broadcast %gt3A_65 : f32 to vector<16xf32>
      %gt3A_67 = arith.cmpf ogt, %add3A_64, %gt3A_66 : vector<16xf32>
      %sub3A_68 = arith.constant 5.000000e+00 : f32
      %sub3A_69 = vector.broadcast %sub3A_68 : f32 to vector<16xf32>
      %sub3A_70 = arith.subf %add3A_64, %sub3A_69 : vector<16xf32>
      %select_n3A_71 = arith.select %gt3A_67, %sub3A_70, %add3A_64 : vector<16xi1>, vector<16xf32>
      %mul3A_72 = arith.constant 16 : i32
      %mul3A_73 = arith.muli %scan3A_53, %mul3A_72 : i32
      %swap3A_74 = arith.index_cast %mul3A_73 : i32 to index
      %swap3A_75 = tpu.vector_load %arg4[%swap3A_74] {strides = array<i32>} : memref<2048xf32, #tpu.memory_space<vmem>>, vector<16xf32>,
      %swap3A_76 = vector.shape_cast %swap3A_75 : vector<16xf32> to vector<16xf32>
      %swap3A_77 = vector.shape_cast %select_n3A_71 : vector<16xf32> to vector<16xf32>
      tpu.vector_store %arg4[%swap3A_74], %swap3A_77 {strides = array<i32>} : memref<2048xf32, #tpu.memory_space<vmem>>, vector<16xf32>,
      %scan3A_78 = arith.constant 2 : i32
      %scan3A_79 = arith.addi %scan3A_32, %scan3A_78 : i32
      %mul3A_80 = arith.constant 16 : i32
      %mul3A_81 = arith.muli %scan3A_79, %mul3A_80 : i32
      %get3A_82 = arith.index_cast %mul3A_81 : i32 to index
      %get3A_83 = tpu.vector_load %arg4[%get3A_82] {strides = array<i32>} : memref<2048xf32, #tpu.memory_space<vmem>>, vector<16xf32>,
      %get3A_84 = vector.shape_cast %get3A_83 : vector<16xf32> to vector<16xf32>
      %mul3A_85 = arith.constant 0.666666686 : f32
      %mul3A_86 = vector.broadcast %mul3A_85 : f32 to vector<16xf32>
      %mul3A_87 = arith.mulf %get3A_84, %mul3A_86 : vector<16xf32>
      %add3A_88 = arith.constant 0.666666686 : f32
      %add3A_89 = vector.broadcast %add3A_88 : f32 to vector<16xf32>
      %add3A_90 = arith.addf %mul3A_87, %add3A_89 : vector<16xf32>
      %gt3A_91 = arith.constant 0.000000e+00 : f32
      %gt3A_92 = vector.broadcast %gt3A_91 : f32 to vector<16xf32>
      %gt3A_93 = arith.cmpf ogt, %add3A_90, %gt3A_92 : vector<16xf32>
      %sub3A_94 = arith.constant 5.000000e+00 : f32
      %sub3A_95 = vector.broadcast %sub3A_94 : f32 to vector<16xf32>
      %sub3A_96 = arith.subf %add3A_90, %sub3A_95 : vector<16xf32>
      %select_n3A_97 = arith.select %gt3A_93, %sub3A_96, %add3A_90 : vector<16xi1>, vector<16xf32>
      %mul3A_98 = arith.constant 16 : i32
      %mul3A_99 = arith.muli %scan3A_79, %mul3A_98 : i32
      %swap3A_100 = arith.index_cast %mul3A_99 : i32 to index
      %swap3A_101 = tpu.vector_load %arg4[%swap3A_100] {strides = array<i32>} : memref<2048xf32, #tpu.memory_space<vmem>>, vector<16xf32>,
      %swap3A_102 = vector.shape_cast %swap3A_101 : vector<16xf32> to vector<16xf32>
      %swap3A_103 = vector.shape_cast %select_n3A_97 : vector<16xf32> to vector<16xf32>
      tpu.vector_store %arg4[%swap3A_100], %swap3A_103 {strides = array<i32>} : memref<2048xf32, #tpu.memory_space<vmem>>, vector<16xf32>,
      %scan3A_104 = arith.constant 3 : i32
      %scan3A_105 = arith.addi %scan3A_32, %scan3A_104 : i32
      %mul3A_106 = arith.constant 16 : i32
      %mul3A_107 = arith.muli %scan3A_105, %mul3A_106 : i32
      %get3A_108 = arith.index_cast %mul3A_107 : i32 to index
      %get3A_109 = tpu.vector_load %arg4[%get3A_108] {strides = array<i32>} : memref<2048xf32, #tpu.memory_space<vmem>>, vector<16xf32>,
      %get3A_110 = vector.shape_cast %get3A_109 : vector<16xf32> to vector<16xf32>
      %mul3A_111 = arith.constant 0.666666686 : f32
      %mul3A_112 = vector.broadcast %mul3A_111 : f32 to vector<16xf32>
      %mul3A_113 = arith.mulf %get3A_110, %mul3A_112 : vector<16xf32>
      %add3A_114 = arith.constant 0.666666686 : f32
      %add3A_115 = vector.broadcast %add3A_114 : f32 to vector<16xf32>
      %add3A_116 = arith.addf %mul3A_113, %add3A_115 : vector<16xf32>
      %gt3A_117 = arith.constant 0.000000e+00 : f32
      %gt3A_118 = vector.broadcast %gt3A_117 : f32 to vector<16xf32>
      %gt3A_119 = arith.cmpf ogt, %add3A_116, %gt3A_118 : vector<16xf32>
      %sub3A_120 = arith.constant 5.000000e+00 : f32
      %sub3A_121 = vector.broadcast %sub3A_120 : f32 to vector<16xf32>
      %sub3A_122 = arith.subf %add3A_116, %sub3A_121 : vector<16xf32>
      %select_n3A_123 = arith.select %gt3A_119, %sub3A_122, %add3A_116 : vector<16xi1>, vector<16xf32>
      %mul3A_124 = arith.constant 16 : i32
      %mul3A_125 = arith.muli %scan3A_105, %mul3A_124 : i32
      %swap3A_126 = arith.index_cast %mul3A_125 : i32 to index
      %swap3A_127 = tpu.vector_load %arg4[%swap3A_126] {strides = array<i32>} : memref<2048xf32, #tpu.memory_space<vmem>>, vector<16xf32>,
      %swap3A_128 = vector.shape_cast %swap3A_127 : vector<16xf32> to vector<16xf32>
      %swap3A_129 = vector.shape_cast %select_n3A_123 : vector<16xf32> to vector<16xf32>
      tpu.vector_store %arg4[%swap3A_126], %swap3A_129 {strides = array<i32>} : memref<2048xf32, #tpu.memory_space<vmem>>, vector<16xf32>,
      %scan3A_130 = arith.constant 4 : i32
      %scan3A_131 = arith.addi %scan3A_32, %scan3A_130 : i32
      %mul3A_132 = arith.constant 16 : i32
      %mul3A_133 = arith.muli %scan3A_131, %mul3A_132 : i32
      %get3A_134 = arith.index_cast %mul3A_133 : i32 to index
      %get3A_135 = tpu.vector_load %arg4[%get3A_134] {strides = array<i32>} : memref<2048xf32, #tpu.memory_space<vmem>>, vector<16xf32>,
      %get3A_136 = vector.shape_cast %get3A_135 : vector<16xf32> to vector<16xf32>
      %mul3A_137 = arith.constant 0.666666686 : f32
      %mul3A_138 = vector.broadcast %mul3A_137 : f32 to vector<16xf32>
      %mul3A_139 = arith.mulf %get3A_136, %mul3A_138 : vector<16xf32>
      %add3A_140 = arith.constant 0.666666686 : f32
      %add3A_141 = vector.broadcast %add3A_140 : f32 to vector<16xf32>
      %add3A_142 = arith.addf %mul3A_139, %add3A_141 : vector<16xf32>
      %gt3A_143 = arith.constant 0.000000e+00 : f32
      %gt3A_144 = vector.broadcast %gt3A_143 : f32 to vector<16xf32>
      %gt3A_145 = arith.cmpf ogt, %add3A_142, %gt3A_144 : vector<16xf32>
      %sub3A_146 = arith.constant 5.000000e+00 : f32
      %sub3A_147 = vector.broadcast %sub3A_146 : f32 to vector<16xf32>
      %sub3A_148 = arith.subf %add3A_142, %sub3A_147 : vector<16xf32>
      %select_n3A_149 = arith.select %gt3A_145, %sub3A_148, %add3A_142 : vector<16xi1>, vector<16xf32>
      %mul3A_150 = arith.constant 16 : i32
      %mul3A_151 = arith.muli %scan3A_131, %mul3A_150 : i32
      %swap3A_152 = arith.index_cast %mul3A_151 : i32 to index
      %swap3A_153 = tpu.vector_load %arg4[%swap3A_152] {strides = array<i32>} : memref<2048xf32, #tpu.memory_space<vmem>>, vector<16xf32>,
      %swap3A_154 = vector.shape_cast %swap3A_153 : vector<16xf32> to vector<16xf32>
      %swap3A_155 = vector.shape_cast %select_n3A_149 : vector<16xf32> to vector<16xf32>
      tpu.vector_store %arg4[%swap3A_152], %swap3A_155 {strides = array<i32>} : memref<2048xf32, #tpu.memory_space<vmem>>, vector<16xf32>,
      %scan3A_156 = arith.constant 5 : i32
      %scan3A_157 = arith.addi %scan3A_32, %scan3A_156 : i32
      %mul3A_158 = arith.constant 16 : i32
      %mul3A_159 = arith.muli %scan3A_157, %mul3A_158 : i32
      %get3A_160 = arith.index_cast %mul3A_159 : i32 to index
      %get3A_161 = tpu.vector_load %arg4[%get3A_160] {strides = array<i32>} : memref<2048xf32, #tpu.memory_space<vmem>>, vector<16xf32>,
      %get3A_162 = vector.shape_cast %get3A_161 : vector<16xf32> to vector<16xf32>
      %mul3A_163 = arith.constant 0.666666686 : f32
      %mul3A_164 = vector.broadcast %mul3A_163 : f32 to vector<16xf32>
      %mul3A_165 = arith.mulf %get3A_162, %mul3A_164 : vector<16xf32>
      %add3A_166 = arith.constant 0.666666686 : f32
      %add3A_167 = vector.broadcast %add3A_166 : f32 to vector<16xf32>
      %add3A_168 = arith.addf %mul3A_165, %add3A_167 : vector<16xf32>
      %gt3A_169 = arith.constant 0.000000e+00 : f32
      %gt3A_170 = vector.broadcast %gt3A_169 : f32 to vector<16xf32>
      %gt3A_171 = arith.cmpf ogt, %add3A_168, %gt3A_170 : vector<16xf32>
      %sub3A_172 = arith.constant 5.000000e+00 : f32
      %sub3A_173 = vector.broadcast %sub3A_172 : f32 to vector<16xf32>
      %sub3A_174 = arith.subf %add3A_168, %sub3A_173 : vector<16xf32>
      %select_n3A_175 = arith.select %gt3A_171, %sub3A_174, %add3A_168 : vector<16xi1>, vector<16xf32>
      %mul3A_176 = arith.constant 16 : i32
      %mul3A_177 = arith.muli %scan3A_157, %mul3A_176 : i32
      %swap3A_178 = arith.index_cast %mul3A_177 : i32 to index
      %swap3A_179 = tpu.vector_load %arg4[%swap3A_178] {strides = array<i32>} : memref<2048xf32, #tpu.memory_space<vmem>>, vector<16xf32>,
      %swap3A_180 = vector.shape_cast %swap3A_179 : vector<16xf32> to vector<16xf32>
      %swap3A_181 = vector.shape_cast %select_n3A_175 : vector<16xf32> to vector<16xf32>
      tpu.vector_store %arg4[%swap3A_178], %swap3A_181 {strides = array<i32>} : memref<2048xf32, #tpu.memory_space<vmem>>, vector<16xf32>,
      %scan3A_182 = arith.constant 6 : i32
      %scan3A_183 = arith.addi %scan3A_32, %scan3A_182 : i32
      %mul3A_184 = arith.constant 16 : i32
      %mul3A_185 = arith.muli %scan3A_183, %mul3A_184 : i32
      %get3A_186 = arith.index_cast %mul3A_185 : i32 to index
      %get3A_187 = tpu.vector_load %arg4[%get3A_186] {strides = array<i32>} : memref<2048xf32, #tpu.memory_space<vmem>>, vector<16xf32>,
      %get3A_188 = vector.shape_cast %get3A_187 : vector<16xf32> to vector<16xf32>
      %mul3A_189 = arith.constant 0.666666686 : f32
      %mul3A_190 = vector.broadcast %mul3A_189 : f32 to vector<16xf32>
      %mul3A_191 = arith.mulf %get3A_188, %mul3A_190 : vector<16xf32>
      %add3A_192 = arith.constant 0.666666686 : f32
      %add3A_193 = vector.broadcast %add3A_192 : f32 to vector<16xf32>
      %add3A_194 = arith.addf %mul3A_191, %add3A_193 : vector<16xf32>
      %gt3A_195 = arith.constant 0.000000e+00 : f32
      %gt3A_196 = vector.broadcast %gt3A_195 : f32 to vector<16xf32>
      %gt3A_197 = arith.cmpf ogt, %add3A_194, %gt3A_196 : vector<16xf32>
      %sub3A_198 = arith.constant 5.000000e+00 : f32
      %sub3A_199 = vector.broadcast %sub3A_198 : f32 to vector<16xf32>
      %sub3A_200 = arith.subf %add3A_194, %sub3A_199 : vector<16xf32>
      %select_n3A_201 = arith.select %gt3A_197, %sub3A_200, %add3A_194 : vector<16xi1>, vector<16xf32>
      %mul3A_202 = arith.constant 16 : i32
      %mul3A_203 = arith.muli %scan3A_183, %mul3A_202 : i32
      %swap3A_204 = arith.index_cast %mul3A_203 : i32 to index
      %swap3A_205 = tpu.vector_load %arg4[%swap3A_204] {strides = array<i32>} : memref<2048xf32, #tpu.memory_space<vmem>>, vector<16xf32>,
      %swap3A_206 = vector.shape_cast %swap3A_205 : vector<16xf32> to vector<16xf32>
      %swap3A_207 = vector.shape_cast %select_n3A_201 : vector<16xf32> to vector<16xf32>
      tpu.vector_store %arg4[%swap3A_204], %swap3A_207 {strides = array<i32>} : memref<2048xf32, #tpu.memory_space<vmem>>, vector<16xf32>,
      %scan3A_208 = arith.constant 7 : i32
      %scan3A_209 = arith.addi %scan3A_32, %scan3A_208 : i32
      %mul3A_210 = arith.constant 16 : i32
      %mul3A_211 = arith.muli %scan3A_209, %mul3A_210 : i32
      %get3A_212 = arith.index_cast %mul3A_211 : i32 to index
      %get3A_213 = tpu.vector_load %arg4[%get3A_212] {strides = array<i32>} : memref<2048xf32, #tpu.memory_space<vmem>>, vector<16xf32>,
      %get3A_214 = vector.shape_cast %get3A_213 : vector<16xf32> to vector<16xf32>
      %mul3A_215 = arith.constant 0.666666686 : f32
      %mul3A_216 = vector.broadcast %mul3A_215 : f32 to vector<16xf32>
      %mul3A_217 = arith.mulf %get3A_214, %mul3A_216 : vector<16xf32>
      %add3A_218 = arith.constant 0.666666686 : f32
      %add3A_219 = vector.broadcast %add3A_218 : f32 to vector<16xf32>
      %add3A_220 = arith.addf %mul3A_217, %add3A_219 : vector<16xf32>
      %gt3A_221 = arith.constant 0.000000e+00 : f32
      %gt3A_222 = vector.broadcast %gt3A_221 : f32 to vector<16xf32>
      %gt3A_223 = arith.cmpf ogt, %add3A_220, %gt3A_222 : vector<16xf32>
      %sub3A_224 = arith.constant 5.000000e+00 : f32
      %sub3A_225 = vector.broadcast %sub3A_224 : f32 to vector<16xf32>
      %sub3A_226 = arith.subf %add3A_220, %sub3A_225 : vector<16xf32>
      %select_n3A_227 = arith.select %gt3A_223, %sub3A_226, %add3A_220 : vector<16xi1>, vector<16xf32>
      %mul3A_228 = arith.constant 16 : i32
      %mul3A_229 = arith.muli %scan3A_209, %mul3A_228 : i32
      %swap3A_230 = arith.index_cast %mul3A_229 : i32 to index
      %swap3A_231 = tpu.vector_load %arg4[%swap3A_230] {strides = array<i32>} : memref<2048xf32, #tpu.memory_space<vmem>>, vector<16xf32>,
      %swap3A_232 = vector.shape_cast %swap3A_231 : vector<16xf32> to vector<16xf32>
      %swap3A_233 = vector.shape_cast %select_n3A_227 : vector<16xf32> to vector<16xf32>
      tpu.vector_store %arg4[%swap3A_230], %swap3A_233 {strides = array<i32>} : memref<2048xf32, #tpu.memory_space<vmem>>, vector<16xf32>,
    }
    %scan3A_13 = arith.constant 128 : i32
    %dma_start3A_14 = tpu.memref_slice %arg3[%mul3A_2] : memref<131072xf32, #tpu.memory_space<hbm>> -> memref<2048xf32, #tpu.memory_space<hbm>>
    %dma_start3A_15 = tpu.memref_slice %arg3[%mul3A_2] : memref<131072xf32, #tpu.memory_space<hbm>> -> memref<2048xf32, #tpu.memory_space<hbm>>
    tpu.enqueue_dma source(%arg4 : memref<2048xf32, #tpu.memory_space<vmem>>) target(%dma_start3A_15 : memref<2048xf32, #tpu.memory_space<hbm>>) target_semaphore(%arg8 : memref<!tpu.dma_semaphore, #tpu.memory_space<semaphore_mem>>)
    %dma_wait3A_16 = tpu.memref_slice %arg2[%add3A_5] : memref<131072xf32, #tpu.memory_space<hbm>> -> memref<2048xf32, #tpu.memory_space<hbm>>
    %dma_wait3A_17 = tpu.memref_slice %arg2[%add3A_5] : memref<131072xf32, #tpu.memory_space<hbm>> -> memref<2048xf32, #tpu.memory_space<hbm>>
    tpu.wait_dma2 semaphore(%arg7 : memref<!tpu.dma_semaphore, #tpu.memory_space<semaphore_mem>>) src(%dma_wait3A_17 : memref<2048xf32, #tpu.memory_space<hbm>>) dst(%arg5 : memref<2048xf32, #tpu.memory_space<vmem>>)
    %scan3A_18 = arith.constant 0 : i32
    %scan3A_19 = arith.constant 0 : i32
    %scan3A_20 = arith.constant 128 : i32
    %scan3A_21 = arith.addi %scan3A_19, %scan3A_20 : i32
    %scan3A_22 = arith.constant 8 : i32
    scf.for %scan3A_32 = %scan3A_19 to %scan3A_21 step %scan3A_22  : i32 {
      %mul3A_33 = arith.constant 16 : i32
      %mul3A_34 = arith.muli %scan3A_32, %mul3A_33 : i32
      %get3A = arith.index_cast %mul3A_34 : i32 to index
      %get3A_35 = tpu.vector_load %arg5[%get3A] {strides = array<i32>} : memref<2048xf32, #tpu.memory_space<vmem>>, vector<16xf32>,
      %get3A_36 = vector.shape_cast %get3A_35 : vector<16xf32> to vector<16xf32>
      %mul3A_37 = arith.constant 0.666666686 : f32
      %mul3A_38 = vector.broadcast %mul3A_37 : f32 to vector<16xf32>
      %mul3A_39 = arith.mulf %get3A_36, %mul3A_38 : vector<16xf32>
      %add3A_40 = arith.constant 0.666666686 : f32
      %add3A_41 = vector.broadcast %add3A_40 : f32 to vector<16xf32>
      %add3A_42 = arith.addf %mul3A_39, %add3A_41 : vector<16xf32>
      %gt3A = arith.constant 0.000000e+00 : f32
      %gt3A_43 = vector.broadcast %gt3A : f32 to vector<16xf32>
      %gt3A_44 = arith.cmpf ogt, %add3A_42, %gt3A_43 : vector<16xf32>
      %sub3A = arith.constant 5.000000e+00 : f32
      %sub3A_45 = vector.broadcast %sub3A : f32 to vector<16xf32>
      %sub3A_46 = arith.subf %add3A_42, %sub3A_45 : vector<16xf32>
      %select_n3A = arith.select %gt3A_44, %sub3A_46, %add3A_42 : vector<16xi1>, vector<16xf32>
      %mul3A_47 = arith.constant 16 : i32
      %mul3A_48 = arith.muli %scan3A_32, %mul3A_47 : i32
      %swap3A = arith.index_cast %mul3A_48 : i32 to index
      %swap3A_49 = tpu.vector_load %arg5[%swap3A] {strides = array<i32>} : memref<2048xf32, #tpu.memory_space<vmem>>, vector<16xf32>,
      %swap3A_50 = vector.shape_cast %swap3A_49 : vector<16xf32> to vector<16xf32>
      %swap3A_51 = vector.shape_cast %select_n3A : vector<16xf32> to vector<16xf32>
      tpu.vector_store %arg5[%swap3A], %swap3A_51 {strides = array<i32>} : memref<2048xf32, #tpu.memory_space<vmem>>, vector<16xf32>,
      %scan3A_52 = arith.constant 1 : i32
      %scan3A_53 = arith.addi %scan3A_32, %scan3A_52 : i32
      %mul3A_54 = arith.constant 16 : i32
      %mul3A_55 = arith.muli %scan3A_53, %mul3A_54 : i32
      %get3A_56 = arith.index_cast %mul3A_55 : i32 to index
      %get3A_57 = tpu.vector_load %arg5[%get3A_56] {strides = array<i32>} : memref<2048xf32, #tpu.memory_space<vmem>>, vector<16xf32>,
      %get3A_58 = vector.shape_cast %get3A_57 : vector<16xf32> to vector<16xf32>
      %mul3A_59 = arith.constant 0.666666686 : f32
      %mul3A_60 = vector.broadcast %mul3A_59 : f32 to vector<16xf32>
      %mul3A_61 = arith.mulf %get3A_58, %mul3A_60 : vector<16xf32>
      %add3A_62 = arith.constant 0.666666686 : f32
      %add3A_63 = vector.broadcast %add3A_62 : f32 to vector<16xf32>
      %add3A_64 = arith.addf %mul3A_61, %add3A_63 : vector<16xf32>
      %gt3A_65 = arith.constant 0.000000e+00 : f32
      %gt3A_66 = vector.broadcast %gt3A_65 : f32 to vector<16xf32>
      %gt3A_67 = arith.cmpf ogt, %add3A_64, %gt3A_66 : vector<16xf32>
      %sub3A_68 = arith.constant 5.000000e+00 : f32
      %sub3A_69 = vector.broadcast %sub3A_68 : f32 to vector<16xf32>
      %sub3A_70 = arith.subf %add3A_64, %sub3A_69 : vector<16xf32>
      %select_n3A_71 = arith.select %gt3A_67, %sub3A_70, %add3A_64 : vector<16xi1>, vector<16xf32>
      %mul3A_72 = arith.constant 16 : i32
      %mul3A_73 = arith.muli %scan3A_53, %mul3A_72 : i32
      %swap3A_74 = arith.index_cast %mul3A_73 : i32 to index
      %swap3A_75 = tpu.vector_load %arg5[%swap3A_74] {strides = array<i32>} : memref<2048xf32, #tpu.memory_space<vmem>>, vector<16xf32>,
      %swap3A_76 = vector.shape_cast %swap3A_75 : vector<16xf32> to vector<16xf32>
      %swap3A_77 = vector.shape_cast %select_n3A_71 : vector<16xf32> to vector<16xf32>
      tpu.vector_store %arg5[%swap3A_74], %swap3A_77 {strides = array<i32>} : memref<2048xf32, #tpu.memory_space<vmem>>, vector<16xf32>,
      %scan3A_78 = arith.constant 2 : i32
      %scan3A_79 = arith.addi %scan3A_32, %scan3A_78 : i32
      %mul3A_80 = arith.constant 16 : i32
      %mul3A_81 = arith.muli %scan3A_79, %mul3A_80 : i32
      %get3A_82 = arith.index_cast %mul3A_81 : i32 to index
      %get3A_83 = tpu.vector_load %arg5[%get3A_82] {strides = array<i32>} : memref<2048xf32, #tpu.memory_space<vmem>>, vector<16xf32>,
      %get3A_84 = vector.shape_cast %get3A_83 : vector<16xf32> to vector<16xf32>
      %mul3A_85 = arith.constant 0.666666686 : f32
      %mul3A_86 = vector.broadcast %mul3A_85 : f32 to vector<16xf32>
      %mul3A_87 = arith.mulf %get3A_84, %mul3A_86 : vector<16xf32>
      %add3A_88 = arith.constant 0.666666686 : f32
      %add3A_89 = vector.broadcast %add3A_88 : f32 to vector<16xf32>
      %add3A_90 = arith.addf %mul3A_87, %add3A_89 : vector<16xf32>
      %gt3A_91 = arith.constant 0.000000e+00 : f32
      %gt3A_92 = vector.broadcast %gt3A_91 : f32 to vector<16xf32>
      %gt3A_93 = arith.cmpf ogt, %add3A_90, %gt3A_92 : vector<16xf32>
      %sub3A_94 = arith.constant 5.000000e+00 : f32
      %sub3A_95 = vector.broadcast %sub3A_94 : f32 to vector<16xf32>
      %sub3A_96 = arith.subf %add3A_90, %sub3A_95 : vector<16xf32>
      %select_n3A_97 = arith.select %gt3A_93, %sub3A_96, %add3A_90 : vector<16xi1>, vector<16xf32>
      %mul3A_98 = arith.constant 16 : i32
      %mul3A_99 = arith.muli %scan3A_79, %mul3A_98 : i32
      %swap3A_100 = arith.index_cast %mul3A_99 : i32 to index
      %swap3A_101 = tpu.vector_load %arg5[%swap3A_100] {strides = array<i32>} : memref<2048xf32, #tpu.memory_space<vmem>>, vector<16xf32>,
      %swap3A_102 = vector.shape_cast %swap3A_101 : vector<16xf32> to vector<16xf32>
      %swap3A_103 = vector.shape_cast %select_n3A_97 : vector<16xf32> to vector<16xf32>
      tpu.vector_store %arg5[%swap3A_100], %swap3A_103 {strides = array<i32>} : memref<2048xf32, #tpu.memory_space<vmem>>, vector<16xf32>,
      %scan3A_104 = arith.constant 3 : i32
      %scan3A_105 = arith.addi %scan3A_32, %scan3A_104 : i32
      %mul3A_106 = arith.constant 16 : i32
      %mul3A_107 = arith.muli %scan3A_105, %mul3A_106 : i32
      %get3A_108 = arith.index_cast %mul3A_107 : i32 to index
      %get3A_109 = tpu.vector_load %arg5[%get3A_108] {strides = array<i32>} : memref<2048xf32, #tpu.memory_space<vmem>>, vector<16xf32>,
      %get3A_110 = vector.shape_cast %get3A_109 : vector<16xf32> to vector<16xf32>
      %mul3A_111 = arith.constant 0.666666686 : f32
      %mul3A_112 = vector.broadcast %mul3A_111 : f32 to vector<16xf32>
      %mul3A_113 = arith.mulf %get3A_110, %mul3A_112 : vector<16xf32>
      %add3A_114 = arith.constant 0.666666686 : f32
      %add3A_115 = vector.broadcast %add3A_114 : f32 to vector<16xf32>
      %add3A_116 = arith.addf %mul3A_113, %add3A_115 : vector<16xf32>
      %gt3A_117 = arith.constant 0.000000e+00 : f32
      %gt3A_118 = vector.broadcast %gt3A_117 : f32 to vector<16xf32>
      %gt3A_119 = arith.cmpf ogt, %add3A_116, %gt3A_118 : vector<16xf32>
      %sub3A_120 = arith.constant 5.000000e+00 : f32
      %sub3A_121 = vector.broadcast %sub3A_120 : f32 to vector<16xf32>
      %sub3A_122 = arith.subf %add3A_116, %sub3A_121 : vector<16xf32>
      %select_n3A_123 = arith.select %gt3A_119, %sub3A_122, %add3A_116 : vector<16xi1>, vector<16xf32>
      %mul3A_124 = arith.constant 16 : i32
      %mul3A_125 = arith.muli %scan3A_105, %mul3A_124 : i32
      %swap3A_126 = arith.index_cast %mul3A_125 : i32 to index
      %swap3A_127 = tpu.vector_load %arg5[%swap3A_126] {strides = array<i32>} : memref<2048xf32, #tpu.memory_space<vmem>>, vector<16xf32>,
      %swap3A_128 = vector.shape_cast %swap3A_127 : vector<16xf32> to vector<16xf32>
      %swap3A_129 = vector.shape_cast %select_n3A_123 : vector<16xf32> to vector<16xf32>
      tpu.vector_store %arg5[%swap3A_126], %swap3A_129 {strides = array<i32>} : memref<2048xf32, #tpu.memory_space<vmem>>, vector<16xf32>,
      %scan3A_130 = arith.constant 4 : i32
      %scan3A_131 = arith.addi %scan3A_32, %scan3A_130 : i32
      %mul3A_132 = arith.constant 16 : i32
      %mul3A_133 = arith.muli %scan3A_131, %mul3A_132 : i32
      %get3A_134 = arith.index_cast %mul3A_133 : i32 to index
      %get3A_135 = tpu.vector_load %arg5[%get3A_134] {strides = array<i32>} : memref<2048xf32, #tpu.memory_space<vmem>>, vector<16xf32>,
      %get3A_136 = vector.shape_cast %get3A_135 : vector<16xf32> to vector<16xf32>
      %mul3A_137 = arith.constant 0.666666686 : f32
      %mul3A_138 = vector.broadcast %mul3A_137 : f32 to vector<16xf32>
      %mul3A_139 = arith.mulf %get3A_136, %mul3A_138 : vector<16xf32>
      %add3A_140 = arith.constant 0.666666686 : f32
      %add3A_141 = vector.broadcast %add3A_140 : f32 to vector<16xf32>
      %add3A_142 = arith.addf %mul3A_139, %add3A_141 : vector<16xf32>
      %gt3A_143 = arith.constant 0.000000e+00 : f32
      %gt3A_144 = vector.broadcast %gt3A_143 : f32 to vector<16xf32>
      %gt3A_145 = arith.cmpf ogt, %add3A_142, %gt3A_144 : vector<16xf32>
      %sub3A_146 = arith.constant 5.000000e+00 : f32
      %sub3A_147 = vector.broadcast %sub3A_146 : f32 to vector<16xf32>
      %sub3A_148 = arith.subf %add3A_142, %sub3A_147 : vector<16xf32>
      %select_n3A_149 = arith.select %gt3A_145, %sub3A_148, %add3A_142 : vector<16xi1>, vector<16xf32>
      %mul3A_150 = arith.constant 16 : i32
      %mul3A_151 = arith.muli %scan3A_131, %mul3A_150 : i32
      %swap3A_152 = arith.index_cast %mul3A_151 : i32 to index
      %swap3A_153 = tpu.vector_load %arg5[%swap3A_152] {strides = array<i32>} : memref<2048xf32, #tpu.memory_space<vmem>>, vector<16xf32>,
      %swap3A_154 = vector.shape_cast %swap3A_153 : vector<16xf32> to vector<16xf32>
      %swap3A_155 = vector.shape_cast %select_n3A_149 : vector<16xf32> to vector<16xf32>
      tpu.vector_store %arg5[%swap3A_152], %swap3A_155 {strides = array<i32>} : memref<2048xf32, #tpu.memory_space<vmem>>, vector<16xf32>,
      %scan3A_156 = arith.constant 5 : i32
      %scan3A_157 = arith.addi %scan3A_32, %scan3A_156 : i32
      %mul3A_158 = arith.constant 16 : i32
      %mul3A_159 = arith.muli %scan3A_157, %mul3A_158 : i32
      %get3A_160 = arith.index_cast %mul3A_159 : i32 to index
      %get3A_161 = tpu.vector_load %arg5[%get3A_160] {strides = array<i32>} : memref<2048xf32, #tpu.memory_space<vmem>>, vector<16xf32>,
      %get3A_162 = vector.shape_cast %get3A_161 : vector<16xf32> to vector<16xf32>
      %mul3A_163 = arith.constant 0.666666686 : f32
      %mul3A_164 = vector.broadcast %mul3A_163 : f32 to vector<16xf32>
      %mul3A_165 = arith.mulf %get3A_162, %mul3A_164 : vector<16xf32>
      %add3A_166 = arith.constant 0.666666686 : f32
      %add3A_167 = vector.broadcast %add3A_166 : f32 to vector<16xf32>
      %add3A_168 = arith.addf %mul3A_165, %add3A_167 : vector<16xf32>
      %gt3A_169 = arith.constant 0.000000e+00 : f32
      %gt3A_170 = vector.broadcast %gt3A_169 : f32 to vector<16xf32>
      %gt3A_171 = arith.cmpf ogt, %add3A_168, %gt3A_170 : vector<16xf32>
      %sub3A_172 = arith.constant 5.000000e+00 : f32
      %sub3A_173 = vector.broadcast %sub3A_172 : f32 to vector<16xf32>
      %sub3A_174 = arith.subf %add3A_168, %sub3A_173 : vector<16xf32>
      %select_n3A_175 = arith.select %gt3A_171, %sub3A_174, %add3A_168 : vector<16xi1>, vector<16xf32>
      %mul3A_176 = arith.constant 16 : i32
      %mul3A_177 = arith.muli %scan3A_157, %mul3A_176 : i32
      %swap3A_178 = arith.index_cast %mul3A_177 : i32 to index
      %swap3A_179 = tpu.vector_load %arg5[%swap3A_178] {strides = array<i32>} : memref<2048xf32, #tpu.memory_space<vmem>>, vector<16xf32>,
      %swap3A_180 = vector.shape_cast %swap3A_179 : vector<16xf32> to vector<16xf32>
      %swap3A_181 = vector.shape_cast %select_n3A_175 : vector<16xf32> to vector<16xf32>
      tpu.vector_store %arg5[%swap3A_178], %swap3A_181 {strides = array<i32>} : memref<2048xf32, #tpu.memory_space<vmem>>, vector<16xf32>,
      %scan3A_182 = arith.constant 6 : i32
      %scan3A_183 = arith.addi %scan3A_32, %scan3A_182 : i32
      %mul3A_184 = arith.constant 16 : i32
      %mul3A_185 = arith.muli %scan3A_183, %mul3A_184 : i32
      %get3A_186 = arith.index_cast %mul3A_185 : i32 to index
      %get3A_187 = tpu.vector_load %arg5[%get3A_186] {strides = array<i32>} : memref<2048xf32, #tpu.memory_space<vmem>>, vector<16xf32>,
      %get3A_188 = vector.shape_cast %get3A_187 : vector<16xf32> to vector<16xf32>
      %mul3A_189 = arith.constant 0.666666686 : f32
      %mul3A_190 = vector.broadcast %mul3A_189 : f32 to vector<16xf32>
      %mul3A_191 = arith.mulf %get3A_188, %mul3A_190 : vector<16xf32>
      %add3A_192 = arith.constant 0.666666686 : f32
      %add3A_193 = vector.broadcast %add3A_192 : f32 to vector<16xf32>
      %add3A_194 = arith.addf %mul3A_191, %add3A_193 : vector<16xf32>
      %gt3A_195 = arith.constant 0.000000e+00 : f32
      %gt3A_196 = vector.broadcast %gt3A_195 : f32 to vector<16xf32>
      %gt3A_197 = arith.cmpf ogt, %add3A_194, %gt3A_196 : vector<16xf32>
      %sub3A_198 = arith.constant 5.000000e+00 : f32
      %sub3A_199 = vector.broadcast %sub3A_198 : f32 to vector<16xf32>
      %sub3A_200 = arith.subf %add3A_194, %sub3A_199 : vector<16xf32>
      %select_n3A_201 = arith.select %gt3A_197, %sub3A_200, %add3A_194 : vector<16xi1>, vector<16xf32>
      %mul3A_202 = arith.constant 16 : i32
      %mul3A_203 = arith.muli %scan3A_183, %mul3A_202 : i32
      %swap3A_204 = arith.index_cast %mul3A_203 : i32 to index
      %swap3A_205 = tpu.vector_load %arg5[%swap3A_204] {strides = array<i32>} : memref<2048xf32, #tpu.memory_space<vmem>>, vector<16xf32>,
      %swap3A_206 = vector.shape_cast %swap3A_205 : vector<16xf32> to vector<16xf32>
      %swap3A_207 = vector.shape_cast %select_n3A_201 : vector<16xf32> to vector<16xf32>
      tpu.vector_store %arg5[%swap3A_204], %swap3A_207 {strides = array<i32>} : memref<2048xf32, #tpu.memory_space<vmem>>, vector<16xf32>,
      %scan3A_208 = arith.constant 7 : i32
      %scan3A_209 = arith.addi %scan3A_32, %scan3A_208 : i32
      %mul3A_210 = arith.constant 16 : i32
      %mul3A_211 = arith.muli %scan3A_209, %mul3A_210 : i32
      %get3A_212 = arith.index_cast %mul3A_211 : i32 to index
      %get3A_213 = tpu.vector_load %arg5[%get3A_212] {strides = array<i32>} : memref<2048xf32, #tpu.memory_space<vmem>>, vector<16xf32>,
      %get3A_214 = vector.shape_cast %get3A_213 : vector<16xf32> to vector<16xf32>
      %mul3A_215 = arith.constant 0.666666686 : f32
      %mul3A_216 = vector.broadcast %mul3A_215 : f32 to vector<16xf32>
      %mul3A_217 = arith.mulf %get3A_214, %mul3A_216 : vector<16xf32>
      %add3A_218 = arith.constant 0.666666686 : f32
      %add3A_219 = vector.broadcast %add3A_218 : f32 to vector<16xf32>
      %add3A_220 = arith.addf %mul3A_217, %add3A_219 : vector<16xf32>
      %gt3A_221 = arith.constant 0.000000e+00 : f32
      %gt3A_222 = vector.broadcast %gt3A_221 : f32 to vector<16xf32>
      %gt3A_223 = arith.cmpf ogt, %add3A_220, %gt3A_222 : vector<16xf32>
      %sub3A_224 = arith.constant 5.000000e+00 : f32
      %sub3A_225 = vector.broadcast %sub3A_224 : f32 to vector<16xf32>
      %sub3A_226 = arith.subf %add3A_220, %sub3A_225 : vector<16xf32>
      %select_n3A_227 = arith.select %gt3A_223, %sub3A_226, %add3A_220 : vector<16xi1>, vector<16xf32>
      %mul3A_228 = arith.constant 16 : i32
      %mul3A_229 = arith.muli %scan3A_209, %mul3A_228 : i32
      %swap3A_230 = arith.index_cast %mul3A_229 : i32 to index
      %swap3A_231 = tpu.vector_load %arg5[%swap3A_230] {strides = array<i32>} : memref<2048xf32, #tpu.memory_space<vmem>>, vector<16xf32>,
      %swap3A_232 = vector.shape_cast %swap3A_231 : vector<16xf32> to vector<16xf32>
      %swap3A_233 = vector.shape_cast %select_n3A_227 : vector<16xf32> to vector<16xf32>
      tpu.vector_store %arg5[%swap3A_230], %swap3A_233 {strides = array<i32>} : memref<2048xf32, #tpu.memory_space<vmem>>, vector<16xf32>,
    }
    %scan3A_23 = arith.constant 128 : i32
    %add3A_24 = arith.constant 2048 : i32
    %add3A_25 = arith.addi %mul3A_2, %add3A_24 : i32
    %dma_start3A_26 = tpu.memref_slice %arg3[%add3A_25] : memref<131072xf32, #tpu.memory_space<hbm>> -> memref<2048xf32, #tpu.memory_space<hbm>>
    %dma_start3A_27 = tpu.memref_slice %arg3[%add3A_25] : memref<131072xf32, #tpu.memory_space<hbm>> -> memref<2048xf32, #tpu.memory_space<hbm>>
    tpu.enqueue_dma source(%arg5 : memref<2048xf32, #tpu.memory_space<vmem>>) target(%dma_start3A_27 : memref<2048xf32, #tpu.memory_space<hbm>>) target_semaphore(%arg7 : memref<!tpu.dma_semaphore, #tpu.memory_space<semaphore_mem>>)
    %dma_wait3A_28 = tpu.memref_slice %arg3[%mul3A_2] : memref<131072xf32, #tpu.memory_space<hbm>> -> memref<2048xf32, #tpu.memory_space<hbm>>
    %dma_wait3A_29 = tpu.memref_slice %arg3[%mul3A_2] : memref<131072xf32, #tpu.memory_space<hbm>> -> memref<2048xf32, #tpu.memory_space<hbm>>
    tpu.wait_dma2 semaphore(%arg8 : memref<!tpu.dma_semaphore, #tpu.memory_space<semaphore_mem>>) src(%arg4 : memref<2048xf32, #tpu.memory_space<vmem>>) dst(%dma_wait3A_29 : memref<2048xf32, #tpu.memory_space<hbm>>)
    %dma_wait3A_30 = tpu.memref_slice %arg3[%add3A_25] : memref<131072xf32, #tpu.memory_space<hbm>> -> memref<2048xf32, #tpu.memory_space<hbm>>
    %dma_wait3A_31 = tpu.memref_slice %arg3[%add3A_25] : memref<131072xf32, #tpu.memory_space<hbm>> -> memref<2048xf32, #tpu.memory_space<hbm>>
    tpu.wait_dma2 semaphore(%arg7 : memref<!tpu.dma_semaphore, #tpu.memory_space<semaphore_mem>>) src(%arg5 : memref<2048xf32, #tpu.memory_space<vmem>>) dst(%dma_wait3A_31 : memref<2048xf32, #tpu.memory_space<hbm>>)
    return
  }
}

</mosaic_0001>

<sc_bundles>
// kernel: kernel.3.cloned.1.call-start
scs
__scs_entry_jumppad:
0x0: {  	(pc) =	sbr.rel $0x88, $3  }
0x1: {  	(tag) =	ssettag $0x0;
	lr =	simm.s32 $0x1  }
0x2: {  	[smem:$0x3FA0] =	sst lr;
	_ =	strace $0xD0000000  }
0x3: {  	_ = 	snop  }
0x4: {  	_ = 	snop  }
0x5: {  	_ = 	snop  }
0x6: {  	_ = 	snop  }
0x7: {  	_ = 	snop  }
__scs_overlays_trampoline_lowered:
0x8: {  	[smem:$0x3FAF] =	sst s0  }
0x9: {  	[smem:$0x3FB0] =	sst s1  }
0xa: {  	[smem:$0x3FB1] =	sst s2  }
0xb: {  	[smem:$0x3FB2] =	sst s3  }
0xc: {  	[smem:$0x3FB3] =	sst s4  }
0xd: {  	[smem:$0x3FB4] =	sst s5  }
0xe: {  	[smem:$0x3FB5] =	sst s6  }
0xf: {  	[smem:$0x3FB6] =	sst s7  }
0x10: {  	[smem:$0x3FB7] =	sst s8  }
0x11: {  	[smem:$0x3FB8] =	sst s9;
	s0 =	simm.s32 @!p0 $0x0  }
0x12: {  	s1 =	sld [smem:$0x3F9E];
	s0 =	simm.s32 @p0 $0x1  }
0x13: {  	[smem:$0x3FB9] =	sst s0;
	s0 =	simm.s32 @!p1 $0x0  }
0x14: {  	s2 =	sld [smem:$0x3F9D];
	s0 =	simm.s32 @p1 $0x1  }
0x15: {  	[smem:$0x3FBA] =	sst s0;
	s0 =	simm.s32 @!p2 $0x0  }
0x16: {  	s3 =	sld [smem:$0x3FDB];
	s0 =	simm.s32 @p2 $0x1  }
0x17: {  	s4 =	simm.s32 $0x1BF5;
	[smem:$0x3FBC] =	sst s0  }
0x18: {  	s0 =	sld [smem:$0x3F9F];
	_ =	swait.ge [sflag:s4], $0x0  }
0x19: {  	s7 =	sld [smem:$0x3FA0]  }
0x1a: {  	s8 =	sadd.s32 $0xFFFFE003, lr  }
0x1b: {  	s9 =	sadd.s32 $0xFFFFFEF7, lr;
	s5 =	simm.s32 $0xFFFFFFFF;
	p2 =	slt.u32 s8, $0xFFFFF086  }
0x1c: {  	p1 =	slt.u32 s9, $0xF7A;
	s5 =	simm.s32 @!p2 $0x0  }
0x1d: {  	s5 =	simm.s32 @p1 $0x1;
	p0 =	seq.s32 s7, s2  }
0x1e: {  	s7 =	smul.u32 @!p0 $0xF7A, s2;
	p2 =	seq.s32 @!p0 s5, $0x0  }
0x1f: {  	s9 =	smul.u32 $0xF7A, s1;
	s8 =	simm.s32 @!p0 $0x1BF5;
	p2 =	por !p2, p0  }
0x20: {  	[sflag:s8] =	ssyncset.s32 @!p0 $0xFFFFF086;
	s6 =	sadd.s32 @!p0 s3, s7;
	s7 =	simm.s32 @!p0 $0x108  }
0x21: {  	s3 =	sadd.s32 s3, s9;
	s6 =	sadd.s32 @!p0 $0x88, s6;
	s7 =	simm.s32 @p2 $0x1082  }
0x22: {  	[simem:s7], [sflag:s8] =	dma.local @!p0 [hbm:s6], $0xF7A  }
0x23: {  	s9 =	sor.u32 $0xD0000000, s2;
	s6 =	simm.s32 $0x108;
	_ =	swait.ge @!p0 [sflag:s8], $0x0  }
0x24: {  	s3 =	sadd.s32 $0x88, s3;
	s6 =	simm.s32 @!p1 $0x1082;
	[sflag:s4] =	ssyncset.s32 $0xFFFFF086  }
0x25: {  	[simem:s6], [sflag:s4] =	dma.local [hbm:s3], $0xF7A  }
0x26: {  	[smem:$0x3FA0] =	sst s1;
	(tag) =	ssettag s2;
	_ =	strace s9  }
0x27: {  	s1 =	sld [smem:$0x3FB0]  }
0x28: {  	s2 =	sld [smem:$0x3FB1]  }
0x29: {  	s4 =	sld [smem:$0x3FB3]  }
0x2a: {  	p0 =	seq.s32 s5, $0x0;
	s5 =	sld [smem:$0x3FB4]  }
0x2b: {  	s6 =	sld [smem:$0x3FB5]  }
0x2c: {  	s7 =	sld [smem:$0x3FB6]  }
0x2d: {  	s3 =	simm.s32 $0x108;
	s8 =	sld [smem:$0x3FB7]  }
0x2e: {  	s3 =	simm.s32 @!p0 $0x1082;
	s9 =	sld [smem:$0x3FB8]  }
0x2f: {  	lr =	sadd.s32 s0, s3;
	s0 =	sld [smem:$0x3FAF]  }
0x30: {  	s3 =	sld [smem:$0x3FB2]  }
0x31: {  	[smem:$0x3FBB] =	sst s10  }
0x32: {  	s10 =	sld [smem:$0x3FB9];
	_ =	sdelay $0x3  }
0x33: {  	p0 =	seq.s32 s10, $0x1;
	s10 =	sld [smem:$0x3FBB];
	_ =	sdelay $0x3  }
0x34: {  	[smem:$0x3FBB] =	sst s10  }
0x35: {  	s10 =	sld [smem:$0x3FBA];
	_ =	sdelay $0x3  }
0x36: {  	p1 =	seq.s32 s10, $0x1;
	s10 =	sld [smem:$0x3FBB];
	_ =	sdelay $0x3  }
0x37: {  	[smem:$0x3FBB] =	sst s10  }
0x38: {  	s10 =	sld [smem:$0x3FBC]  }
0x39: {  	_ = 	snop;
	(pc) =	sbr.ind lr, $3  }
0x3a: {  	_ = 	snop  }
0x3b: {  	_ = 	snop  }
0x3c: {  	p2 =	seq.s32 s10, $0x1;
	s10 =	sld [smem:$0x3FBB]  }
0x3d: {  	_ =	shalt  }
0x3e: {  	_ =	shalt  }
0x3f: {  	_ =	shalt  }
0x40: {  	_ =	shalt  }
0x41: {  	_ =	shalt  }
0x42: {  	_ =	shalt  }
0x43: {  	_ =	shalt  }
0x44: {  	_ =	shalt  }
0x45: {  	_ =	shalt  }
0x46: {  	_ =	shalt  }
0x47: {  	_ =	shalt  }
0x48: {  	_ =	shalt  }
0x49: {  	_ =	shalt  }
0x4a: {  	_ =	shalt  }
0x4b: {  	_ =	shalt  }
0x4c: {  	_ =	shalt  }
0x4d: {  	_ =	shalt  }
0x4e: {  	_ =	shalt  }
0x4f: {  	_ =	shalt  }
0x50: {  	_ =	shalt  }
0x51: {  	_ =	shalt  }
0x52: {  	_ =	shalt  }
0x53: {  	_ =	shalt  }
0x54: {  	_ =	shalt  }
0x55: {  	_ =	shalt  }
0x56: {  	_ =	shalt  }
0x57: {  	_ =	shalt  }
0x58: {  	_ =	shalt  }
0x59: {  	_ =	shalt  }
0x5a: {  	_ =	shalt  }
0x5b: {  	_ =	shalt  }
0x5c: {  	_ =	shalt  }
0x5d: {  	_ =	shalt  }
0x5e: {  	_ =	shalt  }
0x5f: {  	_ =	shalt  }
0x60: {  	_ =	shalt  }
0x61: {  	_ =	shalt  }
0x62: {  	_ =	shalt  }
0x63: {  	_ =	shalt  }
0x64: {  	_ =	shalt  }
0x65: {  	_ =	shalt  }
0x66: {  	_ =	shalt  }
0x67: {  	_ =	shalt  }
0x68: {  	_ =	shalt  }
0x69: {  	_ =	shalt  }
0x6a: {  	_ =	shalt  }
0x6b: {  	_ =	shalt  }
0x6c: {  	_ =	shalt  }
0x6d: {  	_ =	shalt  }
0x6e: {  	_ =	shalt  }
0x6f: {  	_ =	shalt  }
0x70: {  	_ =	shalt  }
0x71: {  	_ =	shalt  }
0x72: {  	_ =	shalt  }
0x73: {  	_ =	shalt  }
0x74: {  	_ =	shalt  }
0x75: {  	_ =	shalt  }
0x76: {  	_ =	shalt  }
0x77: {  	_ =	shalt  }
0x78: {  	_ =	shalt  }
0x79: {  	_ =	shalt  }
0x7a: {  	_ =	shalt  }
0x7b: {  	_ =	shalt  }
0x7c: {  	_ =	shalt  }
0x7d: {  	_ =	shalt  }
0x7e: {  	_ =	shalt  }
0x7f: {  	_ =	shalt  }
0x80: {  	_ =	shalt  }
0x81: {  	_ =	shalt  }
0x82: {  	_ =	shalt  }
0x83: {  	_ =	shalt  }
0x84: {  	_ =	shalt  }
0x85: {  	_ =	shalt  }
0x86: {  	_ =	shalt  }
0x87: {  	_ =	shalt  }
.Lfunc_end0:
.L_simem_size_0:
called_computation_lowered:
.L_overlay_start_0:
0x88: {  	s2 =	sld [smem:$0x3FD9]  }
0x89: {  	s3 =	sld [smem:$0x3FFE];
	_ =	sdelay $0x1  }
0x8a: {  	s1 =	srdreg.scid  }
0x8b: {  	s0 =	sand.u32 $0x1, s1  }
0x8c: {  	s18 =	sshll.u32 s0, $0xA;
	s2 =	sadd.s32 s3, s2  }
0x8d: {  	s2 =	sadd.s32 s2, s18  }
0x8e: {  	[smem:$0x3FC7] =	sst s2  }
0x8f: {  	_ = 	snop  }
0x90: {  	s2 =	sld [smem:$0x3FC9]  }
0x91: {  	s19 =	sld [smem:$0x3FD0];
	(tm) =	ssettm $0x1  }
0x92: {  	s4 =	sld [smem:$0x3FFB];
	_ =	sdelay $0x3  }
0x93: {  	_ =	strace s4  }
0x94: {  	s4 =	sld [smem:$0x3FFC];
	_ =	sdelay $0x3  }
0x95: {  	_ =	strace s4  }
0x96: {  	s4 =	sld [smem:$0x3FFD];
	_ =	sdelay $0x3  }
0x97: {  	_ =	strace s4  }
0x98: {  	_ =	strace $0x8FFFFFFF  }
0x99: {  	s20 =	sld [smem:$0x3FDB];
	_ =	sdelay $0x1  }
0x9a: {  	s5 =	simm.s32 $_scs_section_size  }
0x9b: {  	s6 =	simm.s32 $_size__tile_overlayer_lowered;
	s7 =	simm.s32 $_tile_overlayer_lowered  }
0x9c: {  	s23 =	simm.s32 $0x1BFF;
	s22 =	sshll.u32 s7, $0x1;
	s4 =	sadd.s32 s5, s20  }
0x9d: {  	s8 =	simm.s32 $0x0;
	s21 =	sshll.u32 s6, $0x1;
	s6 =	sadd.s32 s22, s4  }
0x9e: {  	[timem:s8], [sflag:s23] =	dma.local [hbm:s6], s21  }
0x9f: {  	_ =	swait.ge [sflag:s23], s21  }
0xa0: {  	s5 =	ssub.s32 $0x0, s21;
	[sflag:s23] =	ssyncset.done $0x0  }
0xa1: {  	[sflag:s23] =	ssyncadd.s32 s5;
	_ =	sdelay $0x1  }
0xa2: {  	s24 =	simm.s32 $0x1B8B  }
0xa3: {  	_ =	swait.ge [sflag:s24], $0x1  }
0xa4: {  	[sflag:s24] =	ssyncset.done $0x0  }
0xa5: {  	s25 =	simm.s32 $0x1B8E;
	[sflag:s24] =	ssyncadd.s32 $0xFFFFFFFF  }
0xa6: {  	s26 =	simm.s32 $execute0_lowered;
	[smem:$0x3FD2] =	sst s25  }
0xa7: {  	s5 =	sshll.u32 s26, $0x1;
	_ =	strace $0x80000046;
	[dreg:$0x1] =	wrdreg $0xFFFFFFFF  }
0xa8: {  	s28 =	simm.s32 $_size_execute0_lowered;
	s4 =	sadd.s32 s4, s5;
	[dreg:$0x0] =	wrdreg $0x0  }
0xa9: {  	s5 =	sshll.u32 s28, $0x1;
	[dreg:$0x2] =	wrdreg s4  }
0xaa: {  	[dreg:$0x3] =	wrdreg s5  }
0xab: {  	[dreg:$0x4] =	wrdreg $0xC0  }
0xac: {  	_ =	task [dreg:s8], $0x5FFFF  }
0xad: {  	[dreg:$0x1] =	wrdreg $0xFFFFFFFF  }
0xae: {  	[dreg:$0x0] =	wrdreg $0x60  }
0xaf: {  	[dreg:$0x2] =	wrdreg s2  }
0xb0: {  	[dreg:$0x3] =	wrdreg s19  }
0xb1: {  	[dreg:$0x4] =	wrdreg $0x9  }
0xb2: {  	_ =	task.clear_ibuf [dreg:s8], $0x5FFFF;
	_ =	strace $0x90000046  }
0xb3: {  	s29 =	simm.s32 $0x9;
	_ =	strace $0x80000048  }
0xb4: {  	_ =	swait.ge [sflag:s29], $0x1  }
0xb5: {  	[sflag:s29] =	ssyncadd.s32 $0xFFFFFFFF  }
0xb6: {  	_ =	strace $0x90000048  }
0xb7: {  	_ =	sfence  }
0xb8: {  	s30 =	sld [smem:$0x0];
	_ =	sdelay $0x2  }
0xb9: {  	s31 =	sshll.u32 s1, $0xD;
	s1 =	sshrl.u32 s1, $0x2  }
0xba: {  	s3 =	sand.u32 $0x4000, s31;
	s1 =	sadd.s32 s1, s30  }
0xbb: {  	s0 =	sor.u32 s3, s0;
	s1 =	sshll.u32 s1, $0x11  }
0xbc: {  	s0 =	sor.u32 s1, s0  }
0xbd: {  	s0 =	sadd.s32 $0x8F2B, s0  }
0xbe: {  	[sflag:s0] =	ssyncadd.remote.s32 $0x1  }
0xbf: {  	_ =	sfence.sel $0xFFFF  }
0xc0: {  	[dreg:$0x0] =	wrdreg $0xFFFFFFFF;
	(pc) =	sbr.abs _section_cstart, $3  }
0xc1: {  	[dreg:$0x1] =	wrdreg $0xFFFFFFFF  }
0xc2: {  	_ =	task.clear_ibuf [dreg:s8], $0x2FFFF;
	_ =	strace $0x9FFFFFFF  }
0xc3: {  	(tm) =	ssettm $0x7FFFFFFF  }
tec
execute0_lowered:
.L_overlay_start_1:
0x0: {  	(tag) =	ssettag $0x1  }
0x1: {  	s4 =	rddreg [dreg:$0x0]  }
0x2: {  	s6 =	rddreg [dreg:$0x1]  }
0x3: {  	s0 =	rddreg [dreg:$0x2];
	s2 =	simm.s32 $0x0;
	s3 =	srdreg.scid  }
0x4: {  	s1 =	stileid.u32;
	s10 =	simm.s32 $0x2;
	s11 =	simm.s32 $0x3  }
0x5: {  	s12 =	simm.s32 $0x0;
	[smem:$0x7FF] =	sst s2;
	s3 =	sand.u32 $0x1, s3  }
0x6: {  	s7 =	sshll.u32 s1, $0xA;
	s5 =	ssub.s32 $0x2, s3;
	s3 =	sshll.u32 s3, $0x9  }
0x7: {  	_ =	strace $0x80000047;
	s8 =	sshrl.u32 s5, $0x1;
	s7 =	sor.u32 s3, s7  }
0x8: {  	s8 =	ssub.s32 s5, s8;
	s3 =	sadd.s32 s4, s7;
	s9 =	sor.u32 $0x100, s7  }
0x9: {  	s5 =	sadd.s32 s6, s7;
	s4 =	sadd.s32 s4, s9;
	s6 =	sadd.s32 s6, s9  }
0xa: {  	s7 =	smax.u32 s8, $0x1;
	s8 =	simm.s32 $0x800;
	s9 =	simm.s32 $0x1  }
.LBB2_1:
0xb: {  	[tilespmem:s2], [sflag:$0x1] =	stream.linear.gather [hbm4b:s3+s2], $0x800, $0x38;
	[tilespmem:$0x1000] =	vst v63  }
0xc: {  	_ = 	snop  }
0xd: {  	[tilespmem:s8], [sflag:$0x2] =	stream.linear.gather [hbm4b:s4+s2], $0x800, $0x38;
	[tilespmem:$0x1000] =	vst v63  }
0xe: {  	_ =	swait.ge [sflag:s9], $0x800  }
0xf: {  	[sflag:s9] =	ssyncset.done $0x0  }
0x10: {  	s13 =	simm.s32 $0x40;
	[sflag:s9] =	ssyncadd.s32 $0xFFFFF800  }
0x11: {  	v0 =	vld [tilespmem:s13+$0xFFFFFFD0]  }
0x12: {  	v1 =	vld [tilespmem:s13+$0xFFFFFFF0]  }
0x13: {  	v2 =	vld [tilespmem:s13+$0x30]  }
0x14: {  	v3 =	vld [tilespmem:s13+$0xFFFFFFC0];
	_ =	sdelay $0x2  }
0x15: {  	v0 =	vmul.f32 $6.666666860e-01, v0  }
0x16: {  	v5 =	vld [tilespmem:s13+$0xFFFFFFE0];
	v1 =	vmul.f32 $6.666666860e-01, v1;
	v2 =	vmul.f32 $6.666666860e-01, v2  }
0x17: {  	v7 =	vld [tilespmem:s13+$0x0];
	v3 =	vmul.f32 $6.666666860e-01, v3;
	v6 =	vadd.f32 $6.666666860e-01, v0  }
0x18: {  	v9 =	vld [tilespmem:s13+$0x10];
	v0 =	vadd.f32 $6.666666860e-01, v1;
	v1 =	vadd.f32 $6.666666860e-01, v2  }
0x19: {  	v2 =	vadd.f32 $6.666666860e-01, v3;
	v3 =	vadd.f32 $-5.000000000e+00, v6  }
0x1a: {  	vm3 =	vgt.f32 v6, $0.0e+00  }
0x1b: {  	v10 =	vsel vm3, v3, v6;
	v3 =	vld [tilespmem:s13+$0x20]  }
0x1c: {  	v8 =	vmul.f32 $6.666666860e-01, v5;
	v7 =	vmul.f32 $6.666666860e-01, v7  }
0x1d: {  	v5 =	vmul.f32 $6.666666860e-01, v9;
	vm0 =	vgt.f32 v0, $0.0e+00;
	v4 =	vadd.f32 $-5.000000000e+00, v1  }
0x1e: {  	s14 =	simm.s32 $0x0;
	s15 =	simm.s32 $0xC0;
	vm1 =	vgt.f32 v1, $0.0e+00;
	vm2 =	vgt.f32 v2, $0.0e+00;
	v6 =	vadd.f32 $-5.000000000e+00, v2;
	[tilespmem:s13+$0xFFFFFFD0] =	vst v10  }
.LBB2_2:
0x1f: {  	v9 =	vld [tilespmem:s15+$0xFFFFFFD0];
	s14 =	sadd.s32 $0x8, s14;
	v8 =	vadd.f32 $6.666666860e-01, v8;
	v10 =	vadd.f32 $-5.000000000e+00, v0;
	v1 =	vsel vm1, v4, v1  }
0x20: {  	v4 =	vld [tilespmem:s15+$0xFFFFFFF0];
	p0 =	slt.u32 s14, $0x78;
	v2 =	vsel vm2, v6, v2;
	v6 =	vadd.f32 $6.666666860e-01, v7;
	v3 =	vmul.f32 $6.666666860e-01, v3;
	[tilespmem:s13+$0x30] =	vst v1  }
0x21: {  	v5 =	vadd.f32 $6.666666860e-01, v5;
	v1 =	vld [tilespmem:s15+$0x30];
	[tilespmem:s13+$0xFFFFFFC0] =	vst v2;
	vm1 =	vgt.f32 v8, $0.0e+00;
	v2 =	vadd.f32 $-5.000000000e+00, v8  }
0x22: {  	v7 =	vld [tilespmem:s15+$0xFFFFFFC0];
	vm2 =	vgt.f32 v6, $0.0e+00;
	v11 =	vadd.f32 $-5.000000000e+00, v6;
	v3 =	vadd.f32 $6.666666860e-01, v3  }
0x23: {  	v2 =	vsel vm1, v2, v8;
	vm1 =	vgt.f32 v5, $0.0e+00;
	v8 =	vadd.f32 $-5.000000000e+00, v5  }
0x24: {  	v9 =	vmul.f32 $6.666666860e-01, v9;
	[tilespmem:s13+$0xFFFFFFE0] =	vst v2;
	v2 =	vsel vm2, v11, v6;
	vm2 =	vgt.f32 v3, $0.0e+00  }
0x25: {  	v6 =	vld [tilespmem:s15+$0xFFFFFFE0];
	v4 =	vmul.f32 $6.666666860e-01, v4;
	[tilespmem:s13+$0x0] =	vst v2;
	v2 =	vsel vm1, v8, v5;
	v5 =	vadd.f32 $-5.000000000e+00, v3  }
0x26: {  	v10 =	vsel vm0, v10, v0;
	v8 =	vadd.f32 $6.666666860e-01, v9;
	v9 =	vld [tilespmem:s15+$0x0];
	v1 =	vmul.f32 $6.666666860e-01, v1;
	[tilespmem:s13+$0x10] =	vst v2  }
0x27: {  	v2 =	vmul.f32 $6.666666860e-01, v7;
	v0 =	vadd.f32 $6.666666860e-01, v4;
	v11 =	vld [tilespmem:s15+$0x10];
	[tilespmem:s13+$0xFFFFFFF0] =	vst v10;
	v3 =	vsel vm2, v5, v3  }
.Ltmp0:
0x28: {  	v1 =	vadd.f32 $6.666666860e-01, v1;
	[tilespmem:s13+$0x20] =	vst v3;
	s13 =	smov.u32 s15;
	(pc) =	sbr.rel @p0 .LBB2_2-.Ltmp0, $4  }
0x29: {  	v5 =	vadd.f32 $-5.000000000e+00, v8;
	v2 =	vadd.f32 $6.666666860e-01, v2;
	vm0 =	vgt.f32 v0, $0.0e+00;
	v3 =	vld [tilespmem:s15+$0x20]  }
0x2a: {  	vm3 =	vgt.f32 v8, $0.0e+00;
	vm1 =	vgt.f32 v1, $0.0e+00;
	v4 =	vadd.f32 $-5.000000000e+00, v1  }
0x2b: {  	v5 =	vsel vm3, v5, v8;
	v8 =	vmul.f32 $6.666666860e-01, v6;
	vm2 =	vgt.f32 v2, $0.0e+00  }
0x2c: {  	s15 =	sadd.s32 $0x80, s15;
	v6 =	vadd.f32 $-5.000000000e+00, v2;
	v7 =	vmul.f32 $6.666666860e-01, v9;
	[tilespmem:s13+$0xFFFFFFD0] =	vst v5;
	v5 =	vmul.f32 $6.666666860e-01, v11  }
0x2d: {  	_ = 	snop  }
0x2e: {  	v8 =	vadd.f32 $6.666666860e-01, v8;
	v1 =	vsel vm1, v4, v1;
	v2 =	vsel vm2, v6, v2  }
0x2f: {  	v4 =	vadd.f32 $6.666666860e-01, v7;
	v3 =	vmul.f32 $6.666666860e-01, v3;
	v7 =	vadd.f32 $-5.000000000e+00, v0  }
0x30: {  	v5 =	vadd.f32 $6.666666860e-01, v5;
	[tilespmem:s13+$0x30] =	vst v1;
	v6 =	vadd.f32 $-5.000000000e+00, v8;
	vm1 =	vgt.f32 v8, $0.0e+00  }
0x31: {  	[tilespmem:s13+$0xFFFFFFC0] =	vst v2;
	v1 =	vadd.f32 $-5.000000000e+00, v4;
	v2 =	vadd.f32 $6.666666860e-01, v3;
	v0 =	vsel vm0, v7, v0  }
0x32: {  	vm2 =	vgt.f32 v4, $0.0e+00;
	v3 =	vsel vm1, v6, v8;
	v6 =	vadd.f32 $-5.000000000e+00, v5;
	[tilespmem:s13+$0xFFFFFFF0] =	vst v0  }
0x33: {  	vm1 =	vgt.f32 v5, $0.0e+00;
	[tilespmem:s13+$0xFFFFFFE0] =	vst v3;
	v1 =	vsel vm2, v1, v4;
	v3 =	vadd.f32 $-5.000000000e+00, v2  }
0x34: {  	[tilespmem:s13+$0x0] =	vst v1;
	v1 =	vsel vm1, v6, v5;
	vm1 =	vgt.f32 v2, $0.0e+00  }
0x35: {  	[tilespmem:s13+$0x10] =	vst v1;
	v0 =	vsel vm1, v3, v2  }
0x36: {  	[tilespmem:s13+$0x20] =	vst v0  }
0x37: {  	[hbm4b:s5+s2] =	stream.linear.scatter [tilespmem:s2], [sflag:$0x3], $0x800, $0x38;
	[tilespmem:$0x1000] =	vst v63  }
0x38: {  	_ =	swait.ge [sflag:s10], $0x800  }
0x39: {  	[sflag:s10] =	ssyncset.done $0x0  }
0x3a: {  	s13 =	simm.s32 $0x840;
	[sflag:s10] =	ssyncadd.s32 $0xFFFFF800  }
0x3b: {  	v0 =	vld [tilespmem:s13+$0xFFFFFFD0]  }
0x3c: {  	v1 =	vld [tilespmem:s13+$0xFFFFFFF0]  }
0x3d: {  	v2 =	vld [tilespmem:s13+$0x30]  }
0x3e: {  	v3 =	vld [tilespmem:s13+$0xFFFFFFC0];
	_ =	sdelay $0x2  }
0x3f: {  	v0 =	vmul.f32 $6.666666860e-01, v0  }
0x40: {  	v5 =	vld [tilespmem:s13+$0xFFFFFFE0];
	v1 =	vmul.f32 $6.666666860e-01, v1;
	v2 =	vmul.f32 $6.666666860e-01, v2  }
0x41: {  	v7 =	vld [tilespmem:s13+$0x0];
	v3 =	vmul.f32 $6.666666860e-01, v3;
	v6 =	vadd.f32 $6.666666860e-01, v0  }
0x42: {  	v9 =	vld [tilespmem:s13+$0x10];
	v0 =	vadd.f32 $6.666666860e-01, v1;
	v1 =	vadd.f32 $6.666666860e-01, v2  }
0x43: {  	v2 =	vadd.f32 $6.666666860e-01, v3;
	v3 =	vadd.f32 $-5.000000000e+00, v6  }
0x44: {  	vm3 =	vgt.f32 v6, $0.0e+00  }
0x45: {  	v10 =	vsel vm3, v3, v6;
	v3 =	vld [tilespmem:s13+$0x20]  }
0x46: {  	v8 =	vmul.f32 $6.666666860e-01, v5;
	v7 =	vmul.f32 $6.666666860e-01, v7  }
0x47: {  	v5 =	vmul.f32 $6.666666860e-01, v9;
	vm0 =	vgt.f32 v0, $0.0e+00;
	v4 =	vadd.f32 $-5.000000000e+00, v1  }
0x48: {  	s14 =	simm.s32 $0x0;
	s15 =	simm.s32 $0x8C0;
	vm1 =	vgt.f32 v1, $0.0e+00;
	vm2 =	vgt.f32 v2, $0.0e+00;
	v6 =	vadd.f32 $-5.000000000e+00, v2;
	[tilespmem:s13+$0xFFFFFFD0] =	vst v10  }
.LBB2_4:
0x49: {  	v9 =	vld [tilespmem:s15+$0xFFFFFFD0];
	s14 =	sadd.s32 $0x8, s14;
	v8 =	vadd.f32 $6.666666860e-01, v8;
	v10 =	vadd.f32 $-5.000000000e+00, v0;
	v1 =	vsel vm1, v4, v1  }
0x4a: {  	v4 =	vld [tilespmem:s15+$0xFFFFFFF0];
	p0 =	slt.u32 s14, $0x78;
	v2 =	vsel vm2, v6, v2;
	v6 =	vadd.f32 $6.666666860e-01, v7;
	v3 =	vmul.f32 $6.666666860e-01, v3;
	[tilespmem:s13+$0x30] =	vst v1  }
0x4b: {  	v5 =	vadd.f32 $6.666666860e-01, v5;
	v1 =	vld [tilespmem:s15+$0x30];
	[tilespmem:s13+$0xFFFFFFC0] =	vst v2;
	vm1 =	vgt.f32 v8, $0.0e+00;
	v2 =	vadd.f32 $-5.000000000e+00, v8  }
0x4c: {  	v7 =	vld [tilespmem:s15+$0xFFFFFFC0];
	vm2 =	vgt.f32 v6, $0.0e+00;
	v11 =	vadd.f32 $-5.000000000e+00, v6;
	v3 =	vadd.f32 $6.666666860e-01, v3  }
0x4d: {  	v2 =	vsel vm1, v2, v8;
	vm1 =	vgt.f32 v5, $0.0e+00;
	v8 =	vadd.f32 $-5.000000000e+00, v5  }
0x4e: {  	v9 =	vmul.f32 $6.666666860e-01, v9;
	[tilespmem:s13+$0xFFFFFFE0] =	vst v2;
	v2 =	vsel vm2, v11, v6;
	vm2 =	vgt.f32 v3, $0.0e+00  }
0x4f: {  	v6 =	vld [tilespmem:s15+$0xFFFFFFE0];
	v4 =	vmul.f32 $6.666666860e-01, v4;
	[tilespmem:s13+$0x0] =	vst v2;
	v2 =	vsel vm1, v8, v5;
	v5 =	vadd.f32 $-5.000000000e+00, v3  }
0x50: {  	v10 =	vsel vm0, v10, v0;
	v8 =	vadd.f32 $6.666666860e-01, v9;
	v9 =	vld [tilespmem:s15+$0x0];
	v1 =	vmul.f32 $6.666666860e-01, v1;
	[tilespmem:s13+$0x10] =	vst v2  }
0x51: {  	v2 =	vmul.f32 $6.666666860e-01, v7;
	v0 =	vadd.f32 $6.666666860e-01, v4;
	v11 =	vld [tilespmem:s15+$0x10];
	[tilespmem:s13+$0xFFFFFFF0] =	vst v10;
	v3 =	vsel vm2, v5, v3  }
.Ltmp1:
0x52: {  	v1 =	vadd.f32 $6.666666860e-01, v1;
	[tilespmem:s13+$0x20] =	vst v3;
	s13 =	smov.u32 s15;
	(pc) =	sbr.rel @p0 .LBB2_4-.Ltmp1, $4  }
0x53: {  	v5 =	vadd.f32 $-5.000000000e+00, v8;
	v2 =	vadd.f32 $6.666666860e-01, v2;
	vm0 =	vgt.f32 v0, $0.0e+00;
	v3 =	vld [tilespmem:s15+$0x20]  }
0x54: {  	vm3 =	vgt.f32 v8, $0.0e+00;
	vm1 =	vgt.f32 v1, $0.0e+00;
	v4 =	vadd.f32 $-5.000000000e+00, v1  }
0x55: {  	v5 =	vsel vm3, v5, v8;
	v8 =	vmul.f32 $6.666666860e-01, v6;
	vm2 =	vgt.f32 v2, $0.0e+00  }
0x56: {  	s15 =	sadd.s32 $0x80, s15;
	v6 =	vadd.f32 $-5.000000000e+00, v2;
	v7 =	vmul.f32 $6.666666860e-01, v9;
	[tilespmem:s13+$0xFFFFFFD0] =	vst v5;
	v5 =	vmul.f32 $6.666666860e-01, v11  }
0x57: {  	v8 =	vadd.f32 $6.666666860e-01, v8;
	v1 =	vsel vm1, v4, v1;
	v60 =	vadd.f32 $-5.000000000e+00, v0  }
0x58: {  	v2 =	vsel vm2, v6, v2;
	v54 =	vadd.f32 $6.666666860e-01, v7;
	v3 =	vmul.f32 $6.666666860e-01, v3  }
0x59: {  	v5 =	vadd.f32 $6.666666860e-01, v5;
	[tilespmem:s13+$0x30] =	vst v1;
	v55 =	vadd.f32 $-5.000000000e+00, v8;
	vm12 =	vgt.f32 v8, $0.0e+00  }
0x5a: {  	[tilespmem:s13+$0xFFFFFFC0] =	vst v2;
	v0 =	vsel vm0, v60, v0;
	v56 =	vadd.f32 $-5.000000000e+00, v54;
	v57 =	vadd.f32 $6.666666860e-01, v3  }
0x5b: {  	vm13 =	vgt.f32 v54, $0.0e+00;
	v59 =	vadd.f32 $-5.000000000e+00, v5;
	[tilespmem:s13+$0xFFFFFFF0] =	vst v0;
	v58 =	vsel vm12, v55, v8  }
0x5c: {  	vm14 =	vgt.f32 v5, $0.0e+00;
	[tilespmem:s13+$0xFFFFFFE0] =	vst v58;
	v1 =	vsel vm13, v56, v54;
	v62 =	vadd.f32 $-5.000000000e+00, v57  }
0x5d: {  	v61 =	vsel vm14, v59, v5;
	vm15 =	vgt.f32 v57, $0.0e+00;
	[tilespmem:s13+$0x0] =	vst v1  }
0x5e: {  	[tilespmem:s13+$0x10] =	vst v61;
	v63 =	vsel vm15, v62, v57  }
0x5f: {  	s12 =	sadd.s32 $0x1, s12;
	[tilespmem:s13+$0x20] =	vst v63  }
0x60: {  	[hbm4b:s6+s2] =	stream.linear.scatter [tilespmem:s8], [sflag:$0x2], $0x800, $0x38;
	[tilespmem:$0x1000] =	vst v63  }
0x61: {  	p0 =	sne.s32 s12, s7;
	_ =	swait.ge [sflag:s11], $0x800  }
.Ltmp2:
0x62: {  	[sflag:s11] =	ssyncset.done $0x0;
	(pc) =	sbr.rel @p0 .LBB2_1-.Ltmp2, $4  }
0x63: {  	[sflag:s11] =	ssyncadd.s32 $0xFFFFF800  }
0x64: {  	_ =	swait.ge [sflag:s10], $0x800  }
0x65: {  	[sflag:s10] =	ssyncset.done $0x0  }
0x66: {  	[sflag:s10] =	ssyncadd.s32 $0xFFFFF800  }
0x67: {  	_ =	sfence.sel $0x180000  }
0x68: {  	[bflag:$0x0] =	sbarrier.arrive $0xFFFF  }
0x69: {  	p0 =	sne.s32 s1, $0x0;
	_ =	strace $0x90000047  }
0x6a: {  	s0 =	sadd.s32 @!p0 $0x100000, s0;
	[bflag:$0x2] =	sbarrier.arrive $0xFFFF  }
0x6b: {  	[sflag:s0] =	ssyncadd.tile.s32 @!p0 $0x1;
	_ =	shalt  }
.Lfunc_end2:
_tile_overlayer_lowered:
.L_overlay_start_2:
0x6c: {  	(tag) =	ssettag $0x2  }
0x6d: {  	s0 =	rddreg [dreg:$0x0];
	s2 =	stileid.u32  }
0x6e: {  	s1 =	rddreg [dreg:$0x1];
	p0 =	sne.s32 s2, $0x0  }
0x6f: {  	s3 =	rddreg [dreg:$0x2];
	[bflag:$0x3] =	sbarrier.arrive $0xFFFF;
	s2 =	simm.s32 @!p0 $0x1C04  }
0x70: {  	[timem:s3], [sflag:s2] =	dma.local @!p0 [hbm:s0], s1  }
0x71: {  	s0 =	simm.s32 @!p0 $0x4  }
0x72: {  	_ =	swait.ge @!p0 [sflag:s0], s1  }
0x73: {  	s1 =	ssub.s32 @!p0 $0x0, s1;
	[sflag:s0] =	ssyncset.done @!p0 $0x0  }
0x74: {  	[sflag:s0] =	ssyncadd.s32 @!p0 s1  }
0x75: {  	[bflag:$0x3] =	sbarrier.arrive $0xFFFF  }
0x76: {  	_ =	shalt  }

</sc_bundles>
